<compile_context>
chip_gen: v7x
topology: tpu7x:2x2x1
jax: 0.10.2.dev20260603
libtpu: 0.0.44.dev20260713+nightly
codegen_flags: <defaults>
</compile_context>

<pallas_src>
import functools

import jax
import jax.numpy as jnp
import numpy as np
from jax import lax
from jax.experimental import pallas as pl
from jax.experimental.pallas import tpu as pltpu
from jax.experimental.pallas import tpu_sc as plsc

BATCH = 4096
SEQ = 200
DIM = 64

NUM_CORES = 2
NUM_SUBCORES = 16
NUM_WORKERS = NUM_CORES * NUM_SUBCORES
ROWS_PER_WORKER = BATCH // NUM_WORKERS

G0, G1 = 112, 88
ACC_UNROLL = 4


def _sc_pool_body(ids_hbm, table_hbm, out_hbm,
                  ids_v, rows_a, rows_b, pooled_v, sem_a, sem_b):
  wid = lax.axis_index("s") * NUM_CORES + lax.axis_index("c")
  base = wid * ROWS_PER_WORKER

  pltpu.sync_copy(ids_hbm.at[pl.ds(base * SEQ, ROWS_PER_WORKER * SEQ)], ids_v)

  def remap_body(i, _):
    v = ids_v[pl.ds(i * 16, 16)]
    b = v >> _PB_LOG
    r = ((b >> 1) << (_PB_LOG + 1)) + ((v & (_PB - 1)) << 1) + (b & 1)
    ids_v[pl.ds(i * 16, 16)] = r
    return 0

  lax.fori_loop(0, ROWS_PER_WORKER * SEQ // 16, remap_body, 0)

  def issue(row, buf):
    idx0 = ids_v.at[pl.ds(row * SEQ, G0)]
    idx1 = ids_v.at[pl.ds(row * SEQ + G0, G1)]
    pltpu.async_copy(table_hbm.at[idx0], buf.at[pl.ds(0, G0)], _sem(buf))
    pltpu.async_copy(table_hbm.at[idx1], buf.at[pl.ds(G0, G1)], _sem(buf))

  def _sem(buf):
    return sem_a if buf is rows_a else sem_b

  def drain(buf):
    pltpu.make_async_copy(table_hbm.at[pl.ds(0, SEQ)], buf, _sem(buf)).wait()

  zerosf = jnp.zeros((16,), jnp.float32)

  def process(row, buf):
    def acc_body(i, carry):
      a0, a1, a2, a3 = carry
      for u in range(ACC_UNROLL):
        r = i * ACC_UNROLL + u
        a0 = a0 + buf[r, pl.ds(0, 16)]
        a1 = a1 + buf[r, pl.ds(16, 16)]
        a2 = a2 + buf[r, pl.ds(32, 16)]
        a3 = a3 + buf[r, pl.ds(48, 16)]
      return (a0, a1, a2, a3)

    a0, a1, a2, a3 = lax.fori_loop(
        0, SEQ // ACC_UNROLL, acc_body, (zerosf, zerosf, zerosf, zerosf))

    pooled_v[row, pl.ds(0, 16)] = a0
    pooled_v[row, pl.ds(16, 16)] = a1
    pooled_v[row, pl.ds(32, 16)] = a2
    pooled_v[row, pl.ds(48, 16)] = a3

  issue(0, rows_a)

  def outer(g2, _):
    g = g2 * 2
    issue(g + 1, rows_b)
    drain(rows_a)
    process(g, rows_a)

    @pl.when(g + 2 < ROWS_PER_WORKER)
    def _():
      issue(g + 2, rows_a)

    drain(rows_b)
    process(g + 1, rows_b)
    return 0

  lax.fori_loop(0, ROWS_PER_WORKER // 2, outer, 0)

  pltpu.sync_copy(pooled_v, out_hbm.at[pl.ds(base, ROWS_PER_WORKER)])


@functools.partial(jax.jit, static_argnames=())
def _sc_pool(input_ids, emb_table):
  mesh = plsc.VectorSubcoreMesh(
      core_axis_name="c", subcore_axis_name="s",
      num_cores=NUM_CORES, num_subcores=NUM_SUBCORES)
  f = pl.kernel(
      _sc_pool_body,
      out_type=jax.ShapeDtypeStruct((BATCH, DIM), jnp.float32),
      mesh=mesh,
      compiler_params=pltpu.CompilerParams(use_tc_tiling_on_sc=False),
      scratch_types=[
          pltpu.VMEM((ROWS_PER_WORKER * SEQ,), jnp.int32),
          pltpu.VMEM((SEQ, DIM), jnp.float32),
          pltpu.VMEM((SEQ, DIM), jnp.float32),
          pltpu.VMEM((ROWS_PER_WORKER, DIM), jnp.float32),
          pltpu.SemaphoreType.DMA,
          pltpu.SemaphoreType.DMA,
      ],
  )
  return f(input_ids, emb_table)


_INV_SQRT2 = np.float32(1.0 / np.sqrt(2.0))

_T_BLK = 16384


_PB = 16384
_PB_LOG = _PB.bit_length() - 1


def _transpose_body(ta_ref, tb_ref, eye_ref, o_ref):
  ya = jax.lax.dot_general(
      ta_ref[...], eye_ref[...], (((0,), (0,)), ((), ())),
      preferred_element_type=jnp.float32)
  yb = jax.lax.dot_general(
      tb_ref[...], eye_ref[...], (((0,), (0,)), ((), ())),
      preferred_element_type=jnp.float32)
  o_ref[...] = jnp.concatenate([ya, yb], axis=1)


def _relayout_table(table_t):
  vocab = table_t.shape[1]
  grid = (vocab + 2 * _PB - 1) // (2 * _PB)
  eye = jnp.eye(DIM, dtype=jnp.float32)
  last_blk = (vocab + _PB - 1) // _PB - 1
  packed = pl.pallas_call(
      _transpose_body,
      grid=(grid,),
      in_specs=[
          pl.BlockSpec((DIM, _PB), lambda i: (0, 2 * i)),
          pl.BlockSpec((DIM, _PB),
                       lambda i: (0, jnp.minimum(2 * i + 1, last_blk))),
          pl.BlockSpec((DIM, DIM), lambda i: (0, 0)),
      ],
      out_specs=pl.BlockSpec((_PB, 2 * DIM), lambda i: (i, 0)),
      out_shape=jax.ShapeDtypeStruct((grid * _PB, 2 * DIM), jnp.float32),
  )(table_t, table_t, eye)
  return packed.reshape(grid * 2 * _PB, DIM)


def _mlp_body(ids_ref, sums_ref, w1t_ref, b1_ref, w2t_ref, b2_ref, o_ref):
  cnt = jnp.sum((ids_ref[...] != 0).astype(jnp.float32), axis=1,
                keepdims=True)
  x = sums_ref[...] / jnp.maximum(cnt, 1.0)
  h = jnp.dot(x, w1t_ref[...], preferred_element_type=jnp.float32)
  h = h + b1_ref[...]
  h = 0.5 * h * (1.0 + lax.erf(h * _INV_SQRT2))
  o = jnp.dot(h, w2t_ref[...], preferred_element_type=jnp.float32)
  o_ref[...] = o + b2_ref[...]


def _mlp(ids, sums, w1t, b1_2d, w2t_pad, b2_2d):
  nblk = 8
  blk = BATCH // nblk
  return pl.pallas_call(
      _mlp_body,
      grid=(nblk,),
      in_specs=[
          pl.BlockSpec((blk, SEQ), lambda i: (i, 0)),
          pl.BlockSpec((blk, DIM), lambda i: (i, 0)),
          pl.BlockSpec((DIM, DIM), lambda i: (0, 0)),
          pl.BlockSpec((1, DIM), lambda i: (0, 0)),
          pl.BlockSpec((DIM, 128), lambda i: (0, 0)),
          pl.BlockSpec((1, 128), lambda i: (0, 0)),
      ],
      out_specs=pl.BlockSpec((blk, 128), lambda i: (i, 0)),
      out_shape=jax.ShapeDtypeStruct((BATCH, 128), jnp.float32),
  )(ids, sums, w1t, b1_2d, w2t_pad, b2_2d)


def kernel(input_ids, emb_table, W1, b1, W2, b2):
  ids = input_ids.astype(jnp.int32)
  table_lin = _relayout_table(emb_table.T)
  sums = _sc_pool(ids.reshape(BATCH * SEQ), table_lin)
  w1t = W1.T
  w2t_pad = jnp.pad(W2.T, ((0, 0), (0, 128 - W2.shape[0])))
  b2_pad = jnp.pad(b2, (0, 128 - b2.shape[0]))
  out = _mlp(ids, sums, w1t, b1.reshape(1, DIM), w2t_pad,
             b2_pad.reshape(1, 128))
  return out[:, :3]

# --- scband reference (transcript-rebuilt; emitter-appended) ---
"""Pipeline reference for scband-tiny-sentiment-model-2199023255731 (READ-ONLY COPY).

The authoritative reference and input builder live on the scoring server;
editing this copy changes nothing except your own understanding.
"""

import jax, jax.numpy as jnp
import numpy as np

VOCAB = 1000000
EMBED_DIM = 64
HIDDEN_DIM = 64
NUM_CLASSES = 3
BATCH = 4096
SEQ = 200


def setup_inputs(seed: int = 0) -> dict:
    key = jax.random.key(seed)
    k1, k2, k3, k4 = jax.random.split(key, 4)
    input_ids = jax.random.randint(k1, (BATCH, SEQ), 0, VOCAB)
    emb_table = jax.random.normal(k2, (VOCAB, EMBED_DIM), dtype=jnp.float32) * 0.02
    emb_table = emb_table.at[0].set(0.0)  # padding_idx=0 row is zero
    W1 = jax.random.normal(k3, (HIDDEN_DIM, EMBED_DIM), dtype=jnp.float32) * 0.1
    b1 = jnp.zeros((HIDDEN_DIM,), dtype=jnp.float32)
    W2 = jax.random.normal(k4, (NUM_CLASSES, HIDDEN_DIM), dtype=jnp.float32) * 0.1
    b2 = jnp.zeros((NUM_CLASSES,), dtype=jnp.float32)
    return {"input_ids": input_ids, "emb_table": emb_table, "W1": W1, "b1": b1, "W2": W2, "b2": b2}


def reference(input_ids, emb_table, W1, b1, W2, b2):
    # padding mask: tokens equal to 0 are padding
    padding_mask = (input_ids != 0).astype(jnp.float32)[..., None]  # [B, S, 1]
    emb = jnp.take(emb_table, input_ids, axis=0)                     # [B, S, D] gather
    pooled = (emb * padding_mask).sum(axis=1) / jnp.clip(padding_mask.sum(axis=1), 1.0, None)
    x = jax.nn.gelu(pooled @ W1.T + b1, approximate=False)
    # dropout is identity at inference
    return x @ W2.T + b2

if __name__ == "__main__":
    import jax
    _d = setup_inputs()
    print(jax.jit(kernel)(*tuple(_d.values())))

</pallas_src>

<mosaic_0001>
#map = affine_map<(d0, d1) -> (0)>
#map1 = affine_map<(d0, d1) -> (0, 0)>
module attributes {stable_mosaic.version = 14 : i64} {
  func.func @_sc_pool_body(%arg0: i32, %arg1: i32, %arg2: memref<819200xi32, #tpu.memory_space<hbm>>, %arg3: memref<1015808x64xf32, #tpu.memory_space<hbm>>, %arg4: memref<4096x64xf32, #tpu.memory_space<hbm>>, %arg5: memref<25600xi32, #tpu.memory_space<vmem>>, %arg6: memref<200x64xf32, #tpu.memory_space<vmem>>, %arg7: memref<200x64xf32, #tpu.memory_space<vmem>>, %arg8: memref<128x64xf32, #tpu.memory_space<vmem>>, %arg9: memref<!tpu.dma_semaphore, #tpu.memory_space<semaphore_mem>>, %arg10: memref<!tpu.dma_semaphore, #tpu.memory_space<semaphore_mem>>) attributes {dimension_semantics = [#tpu.dimension_semantics<core_parallel>, #tpu.dimension_semantics<subcore_parallel>], iteration_bounds = array<i64: 2, 16>, scalar_prefetch = 0 : i64, scratch_operands = 6 : i64, tpu.core_type = #tpu.core_type<sc_vector_subcore>, window_params = [{transform_indices = #map}, {transform_indices = #map1}, {transform_indices = #map1}]} {
    %mul3A = arith.constant 2 : i32
    %mul3A_0 = arith.muli %arg1, %mul3A : i32
    %add3A = arith.addi %mul3A_0, %arg0 : i32
    %mul3A_1 = arith.constant 128 : i32
    %mul3A_2 = arith.muli %add3A, %mul3A_1 : i32
    %mul3A_3 = arith.constant 200 : i32
    %mul3A_4 = arith.muli %mul3A_2, %mul3A_3 : i32
    "tpu.region"() ({
      %run_scoped3A = tpu.sem_alloc : memref<!tpu.dma_semaphore, #tpu.memory_space<semaphore_mem>>
      %dma_start3A_34 = tpu.memref_slice %arg2[%mul3A_4] : memref<819200xi32, #tpu.memory_space<hbm>> -> memref<25600xi32, #tpu.memory_space<hbm>>
      %dma_start3A_35 = tpu.memref_slice %arg2[%mul3A_4] : memref<819200xi32, #tpu.memory_space<hbm>> -> memref<25600xi32, #tpu.memory_space<hbm>>
      tpu.enqueue_dma source(%dma_start3A_35 : memref<25600xi32, #tpu.memory_space<hbm>>) target(%arg5 : memref<25600xi32, #tpu.memory_space<vmem>>) target_semaphore(%run_scoped3A : memref<!tpu.dma_semaphore, #tpu.memory_space<semaphore_mem>>)
      %dma_wait3A = tpu.memref_slice %arg2[%mul3A_4] : memref<819200xi32, #tpu.memory_space<hbm>> -> memref<25600xi32, #tpu.memory_space<hbm>>
      %dma_wait3A_36 = tpu.memref_slice %arg2[%mul3A_4] : memref<819200xi32, #tpu.memory_space<hbm>> -> memref<25600xi32, #tpu.memory_space<hbm>>
      tpu.wait_dma2 semaphore(%run_scoped3A : memref<!tpu.dma_semaphore, #tpu.memory_space<semaphore_mem>>) src(%dma_wait3A_36 : memref<25600xi32, #tpu.memory_space<hbm>>) dst(%arg5 : memref<25600xi32, #tpu.memory_space<vmem>>)
      tpu.yield
    }) : () -> ()
    %scan3A = arith.constant 0 : i32
    %scan3A_5 = arith.constant 0 : i32
    %scan3A_6 = arith.constant 1600 : i32
    %scan3A_7 = arith.addi %scan3A_5, %scan3A_6 : i32
    %scan3A_8 = arith.constant 1 : i32
    %scan3A_9 = scf.for %scan3A_34 = %scan3A_5 to %scan3A_7 step %scan3A_8 iter_args(%scan3A_35 = %scan3A) -> (i32)  : i32 {
      %mul3A_36 = arith.constant 16 : i32
      %mul3A_37 = arith.muli %scan3A_34, %mul3A_36 : i32
      %get3A = arith.index_cast %mul3A_37 : i32 to index
      %get3A_38 = tpu.vector_load %arg5[%get3A] {strides = array<i32>} : memref<25600xi32, #tpu.memory_space<vmem>>, vector<16xi32>,
      %get3A_39 = vector.shape_cast %get3A_38 : vector<16xi32> to vector<16xi32>
      %shift_right_arithmetic3A = arith.constant 14 : i32
      %shift_right_arithmetic3A_40 = vector.broadcast %shift_right_arithmetic3A : i32 to vector<16xi32>
      %shift_right_arithmetic3A_41 = arith.shrsi %get3A_39, %shift_right_arithmetic3A_40 : vector<16xi32>
      %shift_right_arithmetic3A_42 = arith.constant 1 : i32
      %shift_right_arithmetic3A_43 = vector.broadcast %shift_right_arithmetic3A_42 : i32 to vector<16xi32>
      %shift_right_arithmetic3A_44 = arith.shrsi %shift_right_arithmetic3A_41, %shift_right_arithmetic3A_43 : vector<16xi32>
      %shift_left3A = arith.constant 15 : i32
      %shift_left3A_45 = vector.broadcast %shift_left3A : i32 to vector<16xi32>
      %shift_left3A_46 = arith.shli %shift_right_arithmetic3A_44, %shift_left3A_45 : vector<16xi32>
      %and3A = arith.constant 16383 : i32
      %and3A_47 = vector.broadcast %and3A : i32 to vector<16xi32>
      %and3A_48 = arith.andi %get3A_39, %and3A_47 : vector<16xi32>
      %shift_left3A_49 = arith.constant 1 : i32
      %shift_left3A_50 = vector.broadcast %shift_left3A_49 : i32 to vector<16xi32>
      %shift_left3A_51 = arith.shli %and3A_48, %shift_left3A_50 : vector<16xi32>
      %add3A_52 = arith.addi %shift_left3A_46, %shift_left3A_51 : vector<16xi32>
      %and3A_53 = arith.constant 1 : i32
      %and3A_54 = vector.broadcast %and3A_53 : i32 to vector<16xi32>
      %and3A_55 = arith.andi %shift_right_arithmetic3A_41, %and3A_54 : vector<16xi32>
      %add3A_56 = arith.addi %add3A_52, %and3A_55 : vector<16xi32>
      %mul3A_57 = arith.constant 16 : i32
      %mul3A_58 = arith.muli %scan3A_34, %mul3A_57 : i32
      %swap3A = arith.index_cast %mul3A_58 : i32 to index
      %swap3A_59 = tpu.vector_load %arg5[%swap3A] {strides = array<i32>} : memref<25600xi32, #tpu.memory_space<vmem>>, vector<16xi32>,
      %swap3A_60 = vector.shape_cast %swap3A_59 : vector<16xi32> to vector<16xi32>
      %swap3A_61 = vector.shape_cast %add3A_56 : vector<16xi32> to vector<16xi32>
      tpu.vector_store %arg5[%swap3A], %swap3A_61 {strides = array<i32>} : memref<25600xi32, #tpu.memory_space<vmem>>, vector<16xi32>,
      %scan3A_62 = arith.constant 0 : i32
      scf.yield %scan3A_62 : i32
    }
    %scan3A_10 = arith.constant 1600 : i32
    %broadcast_in_dim3A = arith.constant 0.000000e+00 : f32
    %broadcast_in_dim3A_11 = vector.broadcast %broadcast_in_dim3A : f32 to vector<16xf32>
    %dma_start3A = arith.constant 0 : i32
    %dma_start3A_12 = arith.constant 0 : i32
    %dma_start3A_13 = tpu.memref_slice %arg6[%dma_start3A, %dma_start3A_12] : memref<200x64xf32, #tpu.memory_space<vmem>> -> memref<112x64xf32, #tpu.memory_space<vmem>>
    %dma_start3A_14 = arith.constant 0 : i32
    %dma_start3A_15 = tpu.memref_slice %arg5[%dma_start3A_14] : memref<25600xi32, #tpu.memory_space<vmem>> -> memref<112xi32, #tpu.memory_space<vmem>>
    %dma_start3A_16 = arith.constant 0 : i32
    %dma_start3A_17 = arith.constant 0 : i32
    %dma_start3A_18 = tpu.memref_slice %arg3[%dma_start3A_16, %dma_start3A_17] : memref<1015808x64xf32, #tpu.memory_space<hbm>> -> memref<1015808x64xf32, #tpu.memory_space<hbm>>
    tpu.enqueue_indirect_dma source(%dma_start3A_18 : memref<1015808x64xf32, #tpu.memory_space<hbm>>) target(%dma_start3A_13 : memref<112x64xf32, #tpu.memory_space<vmem>>) offsets(%dma_start3A_15 : memref<112xi32, #tpu.memory_space<vmem>>) semaphore(%arg9 : memref<!tpu.dma_semaphore, #tpu.memory_space<semaphore_mem>>)
    %dma_start3A_19 = arith.constant 112 : i32
    %dma_start3A_20 = arith.constant 0 : i32
    %dma_start3A_21 = tpu.memref_slice %arg6[%dma_start3A_19, %dma_start3A_20] : memref<200x64xf32, #tpu.memory_space<vmem>> -> memref<88x64xf32, #tpu.memory_space<vmem>>
    %dma_start3A_22 = arith.constant 112 : i32
    %dma_start3A_23 = tpu.memref_slice %arg5[%dma_start3A_22] : memref<25600xi32, #tpu.memory_space<vmem>> -> memref<88xi32, #tpu.memory_space<vmem>>
    %dma_start3A_24 = arith.constant 0 : i32
    %dma_start3A_25 = arith.constant 0 : i32
    %dma_start3A_26 = tpu.memref_slice %arg3[%dma_start3A_24, %dma_start3A_25] : memref<1015808x64xf32, #tpu.memory_space<hbm>> -> memref<1015808x64xf32, #tpu.memory_space<hbm>>
    tpu.enqueue_indirect_dma source(%dma_start3A_26 : memref<1015808x64xf32, #tpu.memory_space<hbm>>) target(%dma_start3A_21 : memref<88x64xf32, #tpu.memory_space<vmem>>) offsets(%dma_start3A_23 : memref<88xi32, #tpu.memory_space<vmem>>) semaphore(%arg9 : memref<!tpu.dma_semaphore, #tpu.memory_space<semaphore_mem>>)
    %scan3A_27 = arith.constant 0 : i32
    %scan3A_28 = arith.constant 0 : i32
    %scan3A_29 = arith.constant 64 : i32
    %scan3A_30 = arith.addi %scan3A_28, %scan3A_29 : i32
    %scan3A_31 = arith.constant 1 : i32
    %scan3A_32 = scf.for %scan3A_34 = %scan3A_28 to %scan3A_30 step %scan3A_31 iter_args(%scan3A_35 = %scan3A_27) -> (i32)  : i32 {
      %mul3A_36 = arith.constant 2 : i32
      %mul3A_37 = arith.muli %scan3A_34, %mul3A_36 : i32
      %add3A_38 = arith.constant 1 : i32
      %add3A_39 = arith.addi %mul3A_37, %add3A_38 : i32
      %mul3A_40 = arith.constant 200 : i32
      %mul3A_41 = arith.muli %add3A_39, %mul3A_40 : i32
      %mul3A_42 = arith.constant 200 : i32
      %mul3A_43 = arith.muli %add3A_39, %mul3A_42 : i32
      %add3A_44 = arith.constant 112 : i32
      %add3A_45 = arith.addi %mul3A_43, %add3A_44 : i32
      %dma_start3A_46 = arith.constant 0 : i32
      %dma_start3A_47 = arith.constant 0 : i32
      %dma_start3A_48 = tpu.memref_slice %arg7[%dma_start3A_46, %dma_start3A_47] : memref<200x64xf32, #tpu.memory_space<vmem>> -> memref<112x64xf32, #tpu.memory_space<vmem>>
      %dma_start3A_49 = tpu.memref_slice %arg5[%mul3A_41] : memref<25600xi32, #tpu.memory_space<vmem>> -> memref<112xi32, #tpu.memory_space<vmem>>
      %dma_start3A_50 = arith.constant 0 : i32
      %dma_start3A_51 = arith.constant 0 : i32
      %dma_start3A_52 = tpu.memref_slice %arg3[%dma_start3A_50, %dma_start3A_51] : memref<1015808x64xf32, #tpu.memory_space<hbm>> -> memref<1015808x64xf32, #tpu.memory_space<hbm>>
      tpu.enqueue_indirect_dma source(%dma_start3A_52 : memref<1015808x64xf32, #tpu.memory_space<hbm>>) target(%dma_start3A_48 : memref<112x64xf32, #tpu.memory_space<vmem>>) offsets(%dma_start3A_49 : memref<112xi32, #tpu.memory_space<vmem>>) semaphore(%arg10 : memref<!tpu.dma_semaphore, #tpu.memory_space<semaphore_mem>>)
      %dma_start3A_53 = arith.constant 112 : i32
      %dma_start3A_54 = arith.constant 0 : i32
      %dma_start3A_55 = tpu.memref_slice %arg7[%dma_start3A_53, %dma_start3A_54] : memref<200x64xf32, #tpu.memory_space<vmem>> -> memref<88x64xf32, #tpu.memory_space<vmem>>
      %dma_start3A_56 = tpu.memref_slice %arg5[%add3A_45] : memref<25600xi32, #tpu.memory_space<vmem>> -> memref<88xi32, #tpu.memory_space<vmem>>
      %dma_start3A_57 = arith.constant 0 : i32
      %dma_start3A_58 = arith.constant 0 : i32
      %dma_start3A_59 = tpu.memref_slice %arg3[%dma_start3A_57, %dma_start3A_58] : memref<1015808x64xf32, #tpu.memory_space<hbm>> -> memref<1015808x64xf32, #tpu.memory_space<hbm>>
      tpu.enqueue_indirect_dma source(%dma_start3A_59 : memref<1015808x64xf32, #tpu.memory_space<hbm>>) target(%dma_start3A_55 : memref<88x64xf32, #tpu.memory_space<vmem>>) offsets(%dma_start3A_56 : memref<88xi32, #tpu.memory_space<vmem>>) semaphore(%arg10 : memref<!tpu.dma_semaphore, #tpu.memory_space<semaphore_mem>>)
      %dma_wait3A = arith.constant 0 : i32
      %dma_wait3A_60 = arith.constant 0 : i32
      %dma_wait3A_61 = tpu.memref_slice %arg3[%dma_wait3A, %dma_wait3A_60] : memref<1015808x64xf32, #tpu.memory_space<hbm>> -> memref<200x64xf32, #tpu.memory_space<hbm>>
      %dma_wait3A_62 = arith.constant 0 : i32
      %dma_wait3A_63 = arith.constant 0 : i32
      %dma_wait3A_64 = tpu.memref_slice %arg3[%dma_wait3A_62, %dma_wait3A_63] : memref<1015808x64xf32, #tpu.memory_space<hbm>> -> memref<200x64xf32, #tpu.memory_space<hbm>>
      tpu.wait_dma2 semaphore(%arg9 : memref<!tpu.dma_semaphore, #tpu.memory_space<semaphore_mem>>) src(%dma_wait3A_64 : memref<200x64xf32, #tpu.memory_space<hbm>>) dst(%arg6 : memref<200x64xf32, #tpu.memory_space<vmem>>)
      %scan3A_65 = arith.constant 0 : i32
      %scan3A_66 = arith.constant 50 : i32
      %scan3A_67 = arith.addi %scan3A_65, %scan3A_66 : i32
      %scan3A_68 = arith.constant 1 : i32
      %scan3A_69:4 = scf.for %scan3A_129 = %scan3A_65 to %scan3A_67 step %scan3A_68 iter_args(%scan3A_130 = %broadcast_in_dim3A_11, %scan3A_131 = %broadcast_in_dim3A_11, %scan3A_132 = %broadcast_in_dim3A_11, %scan3A_133 = %broadcast_in_dim3A_11) -> (vector<16xf32>, vector<16xf32>, vector<16xf32>, vector<16xf32>)  : i32 {
        %mul3A_134 = arith.constant 4 : i32
        %mul3A_135 = arith.muli %scan3A_129, %mul3A_134 : i32
        %add3A_136 = arith.constant 0 : i32
        %add3A_137 = arith.addi %mul3A_135, %add3A_136 : i32
        %get3A = arith.index_cast %add3A_137 : i32 to index
        %get3A_138 = arith.constant 0 : index
        %get3A_139 = tpu.vector_load %arg6[%get3A, %get3A_138] {strides = array<i32>} : memref<200x64xf32, #tpu.memory_space<vmem>>, vector<1x16xf32>,
        %get3A_140 = vector.shape_cast %get3A_139 : vector<1x16xf32> to vector<16xf32>
        %add3A_141 = arith.addf %scan3A_130, %get3A_140 : vector<16xf32>
        %get3A_142 = arith.index_cast %add3A_137 : i32 to index
        %get3A_143 = arith.constant 16 : index
        %get3A_144 = tpu.vector_load %arg6[%get3A_142, %get3A_143] {strides = array<i32>} : memref<200x64xf32, #tpu.memory_space<vmem>>, vector<1x16xf32>,
        %get3A_145 = vector.shape_cast %get3A_144 : vector<1x16xf32> to vector<16xf32>
        %add3A_146 = arith.addf %scan3A_131, %get3A_145 : vector<16xf32>
        %get3A_147 = arith.index_cast %add3A_137 : i32 to index
        %get3A_148 = arith.constant 32 : index
        %get3A_149 = tpu.vector_load %arg6[%get3A_147, %get3A_148] {strides = array<i32>} : memref<200x64xf32, #tpu.memory_space<vmem>>, vector<1x16xf32>,
        %get3A_150 = vector.shape_cast %get3A_149 : vector<1x16xf32> to vector<16xf32>
        %add3A_151 = arith.addf %scan3A_132, %get3A_150 : vector<16xf32>
        %get3A_152 = arith.index_cast %add3A_137 : i32 to index
        %get3A_153 = arith.constant 48 : index
        %get3A_154 = tpu.vector_load %arg6[%get3A_152, %get3A_153] {strides = array<i32>} : memref<200x64xf32, #tpu.memory_space<vmem>>, vector<1x16xf32>,
        %get3A_155 = vector.shape_cast %get3A_154 : vector<1x16xf32> to vector<16xf32>
        %add3A_156 = arith.addf %scan3A_133, %get3A_155 : vector<16xf32>
        %mul3A_157 = arith.constant 4 : i32
        %mul3A_158 = arith.muli %scan3A_129, %mul3A_157 : i32
        %add3A_159 = arith.constant 1 : i32
        %add3A_160 = arith.addi %mul3A_158, %add3A_159 : i32
        %get3A_161 = arith.index_cast %add3A_160 : i32 to index
        %get3A_162 = arith.constant 0 : index
        %get3A_163 = tpu.vector_load %arg6[%get3A_161, %get3A_162] {strides = array<i32>} : memref<200x64xf32, #tpu.memory_space<vmem>>, vector<1x16xf32>,
        %get3A_164 = vector.shape_cast %get3A_163 : vector<1x16xf32> to vector<16xf32>
        %add3A_165 = arith.addf %add3A_141, %get3A_164 : vector<16xf32>
        %get3A_166 = arith.index_cast %add3A_160 : i32 to index
        %get3A_167 = arith.constant 16 : index
        %get3A_168 = tpu.vector_load %arg6[%get3A_166, %get3A_167] {strides = array<i32>} : memref<200x64xf32, #tpu.memory_space<vmem>>, vector<1x16xf32>,
        %get3A_169 = vector.shape_cast %get3A_168 : vector<1x16xf32> to vector<16xf32>
        %add3A_170 = arith.addf %add3A_146, %get3A_169 : vector<16xf32>
        %get3A_171 = arith.index_cast %add3A_160 : i32 to index
        %get3A_172 = arith.constant 32 : index
        %get3A_173 = tpu.vector_load %arg6[%get3A_171, %get3A_172] {strides = array<i32>} : memref<200x64xf32, #tpu.memory_space<vmem>>, vector<1x16xf32>,
        %get3A_174 = vector.shape_cast %get3A_173 : vector<1x16xf32> to vector<16xf32>
        %add3A_175 = arith.addf %add3A_151, %get3A_174 : vector<16xf32>
        %get3A_176 = arith.index_cast %add3A_160 : i32 to index
        %get3A_177 = arith.constant 48 : index
        %get3A_178 = tpu.vector_load %arg6[%get3A_176, %get3A_177] {strides = array<i32>} : memref<200x64xf32, #tpu.memory_space<vmem>>, vector<1x16xf32>,
        %get3A_179 = vector.shape_cast %get3A_178 : vector<1x16xf32> to vector<16xf32>
        %add3A_180 = arith.addf %add3A_156, %get3A_179 : vector<16xf32>
        %mul3A_181 = arith.constant 4 : i32
        %mul3A_182 = arith.muli %scan3A_129, %mul3A_181 : i32
        %add3A_183 = arith.constant 2 : i32
        %add3A_184 = arith.addi %mul3A_182, %add3A_183 : i32
        %get3A_185 = arith.index_cast %add3A_184 : i32 to index
        %get3A_186 = arith.constant 0 : index
        %get3A_187 = tpu.vector_load %arg6[%get3A_185, %get3A_186] {strides = array<i32>} : memref<200x64xf32, #tpu.memory_space<vmem>>, vector<1x16xf32>,
        %get3A_188 = vector.shape_cast %get3A_187 : vector<1x16xf32> to vector<16xf32>
        %add3A_189 = arith.addf %add3A_165, %get3A_188 : vector<16xf32>
        %get3A_190 = arith.index_cast %add3A_184 : i32 to index
        %get3A_191 = arith.constant 16 : index
        %get3A_192 = tpu.vector_load %arg6[%get3A_190, %get3A_191] {strides = array<i32>} : memref<200x64xf32, #tpu.memory_space<vmem>>, vector<1x16xf32>,
        %get3A_193 = vector.shape_cast %get3A_192 : vector<1x16xf32> to vector<16xf32>
        %add3A_194 = arith.addf %add3A_170, %get3A_193 : vector<16xf32>
        %get3A_195 = arith.index_cast %add3A_184 : i32 to index
        %get3A_196 = arith.constant 32 : index
        %get3A_197 = tpu.vector_load %arg6[%get3A_195, %get3A_196] {strides = array<i32>} : memref<200x64xf32, #tpu.memory_space<vmem>>, vector<1x16xf32>,
        %get3A_198 = vector.shape_cast %get3A_197 : vector<1x16xf32> to vector<16xf32>
        %add3A_199 = arith.addf %add3A_175, %get3A_198 : vector<16xf32>
        %get3A_200 = arith.index_cast %add3A_184 : i32 to index
        %get3A_201 = arith.constant 48 : index
        %get3A_202 = tpu.vector_load %arg6[%get3A_200, %get3A_201] {strides = array<i32>} : memref<200x64xf32, #tpu.memory_space<vmem>>, vector<1x16xf32>,
        %get3A_203 = vector.shape_cast %get3A_202 : vector<1x16xf32> to vector<16xf32>
        %add3A_204 = arith.addf %add3A_180, %get3A_203 : vector<16xf32>
        %mul3A_205 = arith.constant 4 : i32
        %mul3A_206 = arith.muli %scan3A_129, %mul3A_205 : i32
        %add3A_207 = arith.constant 3 : i32
        %add3A_208 = arith.addi %mul3A_206, %add3A_207 : i32
        %get3A_209 = arith.index_cast %add3A_208 : i32 to index
        %get3A_210 = arith.constant 0 : index
        %get3A_211 = tpu.vector_load %arg6[%get3A_209, %get3A_210] {strides = array<i32>} : memref<200x64xf32, #tpu.memory_space<vmem>>, vector<1x16xf32>,
        %get3A_212 = vector.shape_cast %get3A_211 : vector<1x16xf32> to vector<16xf32>
        %add3A_213 = arith.addf %add3A_189, %get3A_212 : vector<16xf32>
        %get3A_214 = arith.index_cast %add3A_208 : i32 to index
        %get3A_215 = arith.constant 16 : index
        %get3A_216 = tpu.vector_load %arg6[%get3A_214, %get3A_215] {strides = array<i32>} : memref<200x64xf32, #tpu.memory_space<vmem>>, vector<1x16xf32>,
        %get3A_217 = vector.shape_cast %get3A_216 : vector<1x16xf32> to vector<16xf32>
        %add3A_218 = arith.addf %add3A_194, %get3A_217 : vector<16xf32>
        %get3A_219 = arith.index_cast %add3A_208 : i32 to index
        %get3A_220 = arith.constant 32 : index
        %get3A_221 = tpu.vector_load %arg6[%get3A_219, %get3A_220] {strides = array<i32>} : memref<200x64xf32, #tpu.memory_space<vmem>>, vector<1x16xf32>,
        %get3A_222 = vector.shape_cast %get3A_221 : vector<1x16xf32> to vector<16xf32>
        %add3A_223 = arith.addf %add3A_199, %get3A_222 : vector<16xf32>
        %get3A_224 = arith.index_cast %add3A_208 : i32 to index
        %get3A_225 = arith.constant 48 : index
        %get3A_226 = tpu.vector_load %arg6[%get3A_224, %get3A_225] {strides = array<i32>} : memref<200x64xf32, #tpu.memory_space<vmem>>, vector<1x16xf32>,
        %get3A_227 = vector.shape_cast %get3A_226 : vector<1x16xf32> to vector<16xf32>
        %add3A_228 = arith.addf %add3A_204, %get3A_227 : vector<16xf32>
        scf.yield %add3A_213, %add3A_218, %add3A_223, %add3A_228 : vector<16xf32>, vector<16xf32>, vector<16xf32>, vector<16xf32>
      }
      %scan3A_70 = arith.constant 50 : i32
      %swap3A = arith.index_cast %mul3A_37 : i32 to index
      %swap3A_71 = arith.constant 0 : index
      %swap3A_72 = tpu.vector_load %arg8[%swap3A, %swap3A_71] {strides = array<i32>} : memref<128x64xf32, #tpu.memory_space<vmem>>, vector<1x16xf32>,
      %swap3A_73 = vector.shape_cast %swap3A_72 : vector<1x16xf32> to vector<16xf32>
      %swap3A_74 = vector.shape_cast %scan3A_69#0 : vector<16xf32> to vector<1x16xf32>
      tpu.vector_store %arg8[%swap3A, %swap3A_71], %swap3A_74 {strides = array<i32>} : memref<128x64xf32, #tpu.memory_space<vmem>>, vector<1x16xf32>,
      %swap3A_75 = arith.index_cast %mul3A_37 : i32 to index
      %swap3A_76 = arith.constant 16 : index
      %swap3A_77 = tpu.vector_load %arg8[%swap3A_75, %swap3A_76] {strides = array<i32>} : memref<128x64xf32, #tpu.memory_space<vmem>>, vector<1x16xf32>,
      %swap3A_78 = vector.shape_cast %swap3A_77 : vector<1x16xf32> to vector<16xf32>
      %swap3A_79 = vector.shape_cast %scan3A_69#1 : vector<16xf32> to vector<1x16xf32>
      tpu.vector_store %arg8[%swap3A_75, %swap3A_76], %swap3A_79 {strides = array<i32>} : memref<128x64xf32, #tpu.memory_space<vmem>>, vector<1x16xf32>,
      %swap3A_80 = arith.index_cast %mul3A_37 : i32 to index
      %swap3A_81 = arith.constant 32 : index
      %swap3A_82 = tpu.vector_load %arg8[%swap3A_80, %swap3A_81] {strides = array<i32>} : memref<128x64xf32, #tpu.memory_space<vmem>>, vector<1x16xf32>,
      %swap3A_83 = vector.shape_cast %swap3A_82 : vector<1x16xf32> to vector<16xf32>
      %swap3A_84 = vector.shape_cast %scan3A_69#2 : vector<16xf32> to vector<1x16xf32>
      tpu.vector_store %arg8[%swap3A_80, %swap3A_81], %swap3A_84 {strides = array<i32>} : memref<128x64xf32, #tpu.memory_space<vmem>>, vector<1x16xf32>,
      %swap3A_85 = arith.index_cast %mul3A_37 : i32 to index
      %swap3A_86 = arith.constant 48 : index
      %swap3A_87 = tpu.vector_load %arg8[%swap3A_85, %swap3A_86] {strides = array<i32>} : memref<128x64xf32, #tpu.memory_space<vmem>>, vector<1x16xf32>,
      %swap3A_88 = vector.shape_cast %swap3A_87 : vector<1x16xf32> to vector<16xf32>
      %swap3A_89 = vector.shape_cast %scan3A_69#3 : vector<16xf32> to vector<1x16xf32>
      tpu.vector_store %arg8[%swap3A_85, %swap3A_86], %swap3A_89 {strides = array<i32>} : memref<128x64xf32, #tpu.memory_space<vmem>>, vector<1x16xf32>,
      %add3A_90 = arith.constant 2 : i32
      %add3A_91 = arith.addi %mul3A_37, %add3A_90 : i32
      %lt3A = arith.constant 128 : i32
      %lt3A_92 = arith.cmpi slt, %add3A_91, %lt3A : i32
      %convert_element_type3A = arith.extui %lt3A_92 : i1 to i32
      %cond3A = arith.constant 0 : i32
      %cond3A_93 = arith.cmpi ne, %convert_element_type3A, %cond3A : i32
      scf.if %cond3A_93 {
        %add3A_129 = arith.constant 2 : i32
        %add3A_130 = arith.addi %mul3A_37, %add3A_129 : i32
        %mul3A_131 = arith.constant 200 : i32
        %mul3A_132 = arith.muli %add3A_130, %mul3A_131 : i32
        %mul3A_133 = arith.constant 200 : i32
        %mul3A_134 = arith.muli %add3A_130, %mul3A_133 : i32
        %add3A_135 = arith.constant 112 : i32
        %add3A_136 = arith.addi %mul3A_134, %add3A_135 : i32
        %dma_start3A_137 = arith.constant 0 : i32
        %dma_start3A_138 = arith.constant 0 : i32
        %dma_start3A_139 = tpu.memref_slice %arg6[%dma_start3A_137, %dma_start3A_138] : memref<200x64xf32, #tpu.memory_space<vmem>> -> memref<112x64xf32, #tpu.memory_space<vmem>>
        %dma_start3A_140 = tpu.memref_slice %arg5[%mul3A_132] : memref<25600xi32, #tpu.memory_space<vmem>> -> memref<112xi32, #tpu.memory_space<vmem>>
        %dma_start3A_141 = arith.constant 0 : i32
        %dma_start3A_142 = arith.constant 0 : i32
        %dma_start3A_143 = tpu.memref_slice %arg3[%dma_start3A_141, %dma_start3A_142] : memref<1015808x64xf32, #tpu.memory_space<hbm>> -> memref<1015808x64xf32, #tpu.memory_space<hbm>>
        tpu.enqueue_indirect_dma source(%dma_start3A_143 : memref<1015808x64xf32, #tpu.memory_space<hbm>>) target(%dma_start3A_139 : memref<112x64xf32, #tpu.memory_space<vmem>>) offsets(%dma_start3A_140 : memref<112xi32, #tpu.memory_space<vmem>>) semaphore(%arg9 : memref<!tpu.dma_semaphore, #tpu.memory_space<semaphore_mem>>)
        %dma_start3A_144 = arith.constant 112 : i32
        %dma_start3A_145 = arith.constant 0 : i32
        %dma_start3A_146 = tpu.memref_slice %arg6[%dma_start3A_144, %dma_start3A_145] : memref<200x64xf32, #tpu.memory_space<vmem>> -> memref<88x64xf32, #tpu.memory_space<vmem>>
        %dma_start3A_147 = tpu.memref_slice %arg5[%add3A_136] : memref<25600xi32, #tpu.memory_space<vmem>> -> memref<88xi32, #tpu.memory_space<vmem>>
        %dma_start3A_148 = arith.constant 0 : i32
        %dma_start3A_149 = arith.constant 0 : i32
        %dma_start3A_150 = tpu.memref_slice %arg3[%dma_start3A_148, %dma_start3A_149] : memref<1015808x64xf32, #tpu.memory_space<hbm>> -> memref<1015808x64xf32, #tpu.memory_space<hbm>>
        tpu.enqueue_indirect_dma source(%dma_start3A_150 : memref<1015808x64xf32, #tpu.memory_space<hbm>>) target(%dma_start3A_146 : memref<88x64xf32, #tpu.memory_space<vmem>>) offsets(%dma_start3A_147 : memref<88xi32, #tpu.memory_space<vmem>>) semaphore(%arg9 : memref<!tpu.dma_semaphore, #tpu.memory_space<semaphore_mem>>)
      } else {
      }
      %dma_wait3A_94 = arith.constant 0 : i32
      %dma_wait3A_95 = arith.constant 0 : i32
      %dma_wait3A_96 = tpu.memref_slice %arg3[%dma_wait3A_94, %dma_wait3A_95] : memref<1015808x64xf32, #tpu.memory_space<hbm>> -> memref<200x64xf32, #tpu.memory_space<hbm>>
      %dma_wait3A_97 = arith.constant 0 : i32
      %dma_wait3A_98 = arith.constant 0 : i32
      %dma_wait3A_99 = tpu.memref_slice %arg3[%dma_wait3A_97, %dma_wait3A_98] : memref<1015808x64xf32, #tpu.memory_space<hbm>> -> memref<200x64xf32, #tpu.memory_space<hbm>>
      tpu.wait_dma2 semaphore(%arg10 : memref<!tpu.dma_semaphore, #tpu.memory_space<semaphore_mem>>) src(%dma_wait3A_99 : memref<200x64xf32, #tpu.memory_space<hbm>>) dst(%arg7 : memref<200x64xf32, #tpu.memory_space<vmem>>)
      %add3A_100 = arith.constant 1 : i32
      %add3A_101 = arith.addi %mul3A_37, %add3A_100 : i32
      %scan3A_102 = arith.constant 0 : i32
      %scan3A_103 = arith.constant 50 : i32
      %scan3A_104 = arith.addi %scan3A_102, %scan3A_103 : i32
      %scan3A_105 = arith.constant 1 : i32
      %scan3A_106:4 = scf.for %scan3A_129 = %scan3A_102 to %scan3A_104 step %scan3A_105 iter_args(%scan3A_130 = %broadcast_in_dim3A_11, %scan3A_131 = %broadcast_in_dim3A_11, %scan3A_132 = %broadcast_in_dim3A_11, %scan3A_133 = %broadcast_in_dim3A_11) -> (vector<16xf32>, vector<16xf32>, vector<16xf32>, vector<16xf32>)  : i32 {
        %mul3A_134 = arith.constant 4 : i32
        %mul3A_135 = arith.muli %scan3A_129, %mul3A_134 : i32
        %add3A_136 = arith.constant 0 : i32
        %add3A_137 = arith.addi %mul3A_135, %add3A_136 : i32
        %get3A = arith.index_cast %add3A_137 : i32 to index
        %get3A_138 = arith.constant 0 : index
        %get3A_139 = tpu.vector_load %arg7[%get3A, %get3A_138] {strides = array<i32>} : memref<200x64xf32, #tpu.memory_space<vmem>>, vector<1x16xf32>,
        %get3A_140 = vector.shape_cast %get3A_139 : vector<1x16xf32> to vector<16xf32>
        %add3A_141 = arith.addf %scan3A_130, %get3A_140 : vector<16xf32>
        %get3A_142 = arith.index_cast %add3A_137 : i32 to index
        %get3A_143 = arith.constant 16 : index
        %get3A_144 = tpu.vector_load %arg7[%get3A_142, %get3A_143] {strides = array<i32>} : memref<200x64xf32, #tpu.memory_space<vmem>>, vector<1x16xf32>,
        %get3A_145 = vector.shape_cast %get3A_144 : vector<1x16xf32> to vector<16xf32>
        %add3A_146 = arith.addf %scan3A_131, %get3A_145 : vector<16xf32>
        %get3A_147 = arith.index_cast %add3A_137 : i32 to index
        %get3A_148 = arith.constant 32 : index
        %get3A_149 = tpu.vector_load %arg7[%get3A_147, %get3A_148] {strides = array<i32>} : memref<200x64xf32, #tpu.memory_space<vmem>>, vector<1x16xf32>,
        %get3A_150 = vector.shape_cast %get3A_149 : vector<1x16xf32> to vector<16xf32>
        %add3A_151 = arith.addf %scan3A_132, %get3A_150 : vector<16xf32>
        %get3A_152 = arith.index_cast %add3A_137 : i32 to index
        %get3A_153 = arith.constant 48 : index
        %get3A_154 = tpu.vector_load %arg7[%get3A_152, %get3A_153] {strides = array<i32>} : memref<200x64xf32, #tpu.memory_space<vmem>>, vector<1x16xf32>,
        %get3A_155 = vector.shape_cast %get3A_154 : vector<1x16xf32> to vector<16xf32>
        %add3A_156 = arith.addf %scan3A_133, %get3A_155 : vector<16xf32>
        %mul3A_157 = arith.constant 4 : i32
        %mul3A_158 = arith.muli %scan3A_129, %mul3A_157 : i32
        %add3A_159 = arith.constant 1 : i32
        %add3A_160 = arith.addi %mul3A_158, %add3A_159 : i32
        %get3A_161 = arith.index_cast %add3A_160 : i32 to index
        %get3A_162 = arith.constant 0 : index
        %get3A_163 = tpu.vector_load %arg7[%get3A_161, %get3A_162] {strides = array<i32>} : memref<200x64xf32, #tpu.memory_space<vmem>>, vector<1x16xf32>,
        %get3A_164 = vector.shape_cast %get3A_163 : vector<1x16xf32> to vector<16xf32>
        %add3A_165 = arith.addf %add3A_141, %get3A_164 : vector<16xf32>
        %get3A_166 = arith.index_cast %add3A_160 : i32 to index
        %get3A_167 = arith.constant 16 : index
        %get3A_168 = tpu.vector_load %arg7[%get3A_166, %get3A_167] {strides = array<i32>} : memref<200x64xf32, #tpu.memory_space<vmem>>, vector<1x16xf32>,
        %get3A_169 = vector.shape_cast %get3A_168 : vector<1x16xf32> to vector<16xf32>
        %add3A_170 = arith.addf %add3A_146, %get3A_169 : vector<16xf32>
        %get3A_171 = arith.index_cast %add3A_160 : i32 to index
        %get3A_172 = arith.constant 32 : index
        %get3A_173 = tpu.vector_load %arg7[%get3A_171, %get3A_172] {strides = array<i32>} : memref<200x64xf32, #tpu.memory_space<vmem>>, vector<1x16xf32>,
        %get3A_174 = vector.shape_cast %get3A_173 : vector<1x16xf32> to vector<16xf32>
        %add3A_175 = arith.addf %add3A_151, %get3A_174 : vector<16xf32>
        %get3A_176 = arith.index_cast %add3A_160 : i32 to index
        %get3A_177 = arith.constant 48 : index
        %get3A_178 = tpu.vector_load %arg7[%get3A_176, %get3A_177] {strides = array<i32>} : memref<200x64xf32, #tpu.memory_space<vmem>>, vector<1x16xf32>,
        %get3A_179 = vector.shape_cast %get3A_178 : vector<1x16xf32> to vector<16xf32>
        %add3A_180 = arith.addf %add3A_156, %get3A_179 : vector<16xf32>
        %mul3A_181 = arith.constant 4 : i32
        %mul3A_182 = arith.muli %scan3A_129, %mul3A_181 : i32
        %add3A_183 = arith.constant 2 : i32
        %add3A_184 = arith.addi %mul3A_182, %add3A_183 : i32
        %get3A_185 = arith.index_cast %add3A_184 : i32 to index
        %get3A_186 = arith.constant 0 : index
        %get3A_187 = tpu.vector_load %arg7[%get3A_185, %get3A_186] {strides = array<i32>} : memref<200x64xf32, #tpu.memory_space<vmem>>, vector<1x16xf32>,
        %get3A_188 = vector.shape_cast %get3A_187 : vector<1x16xf32> to vector<16xf32>
        %add3A_189 = arith.addf %add3A_165, %get3A_188 : vector<16xf32>
        %get3A_190 = arith.index_cast %add3A_184 : i32 to index
        %get3A_191 = arith.constant 16 : index
        %get3A_192 = tpu.vector_load %arg7[%get3A_190, %get3A_191] {strides = array<i32>} : memref<200x64xf32, #tpu.memory_space<vmem>>, vector<1x16xf32>,
        %get3A_193 = vector.shape_cast %get3A_192 : vector<1x16xf32> to vector<16xf32>
        %add3A_194 = arith.addf %add3A_170, %get3A_193 : vector<16xf32>
        %get3A_195 = arith.index_cast %add3A_184 : i32 to index
        %get3A_196 = arith.constant 32 : index
        %get3A_197 = tpu.vector_load %arg7[%get3A_195, %get3A_196] {strides = array<i32>} : memref<200x64xf32, #tpu.memory_space<vmem>>, vector<1x16xf32>,
        %get3A_198 = vector.shape_cast %get3A_197 : vector<1x16xf32> to vector<16xf32>
        %add3A_199 = arith.addf %add3A_175, %get3A_198 : vector<16xf32>
        %get3A_200 = arith.index_cast %add3A_184 : i32 to index
        %get3A_201 = arith.constant 48 : index
        %get3A_202 = tpu.vector_load %arg7[%get3A_200, %get3A_201] {strides = array<i32>} : memref<200x64xf32, #tpu.memory_space<vmem>>, vector<1x16xf32>,
        %get3A_203 = vector.shape_cast %get3A_202 : vector<1x16xf32> to vector<16xf32>
        %add3A_204 = arith.addf %add3A_180, %get3A_203 : vector<16xf32>
        %mul3A_205 = arith.constant 4 : i32
        %mul3A_206 = arith.muli %scan3A_129, %mul3A_205 : i32
        %add3A_207 = arith.constant 3 : i32
        %add3A_208 = arith.addi %mul3A_206, %add3A_207 : i32
        %get3A_209 = arith.index_cast %add3A_208 : i32 to index
        %get3A_210 = arith.constant 0 : index
        %get3A_211 = tpu.vector_load %arg7[%get3A_209, %get3A_210] {strides = array<i32>} : memref<200x64xf32, #tpu.memory_space<vmem>>, vector<1x16xf32>,
        %get3A_212 = vector.shape_cast %get3A_211 : vector<1x16xf32> to vector<16xf32>
        %add3A_213 = arith.addf %add3A_189, %get3A_212 : vector<16xf32>
        %get3A_214 = arith.index_cast %add3A_208 : i32 to index
        %get3A_215 = arith.constant 16 : index
        %get3A_216 = tpu.vector_load %arg7[%get3A_214, %get3A_215] {strides = array<i32>} : memref<200x64xf32, #tpu.memory_space<vmem>>, vector<1x16xf32>,
        %get3A_217 = vector.shape_cast %get3A_216 : vector<1x16xf32> to vector<16xf32>
        %add3A_218 = arith.addf %add3A_194, %get3A_217 : vector<16xf32>
        %get3A_219 = arith.index_cast %add3A_208 : i32 to index
        %get3A_220 = arith.constant 32 : index
        %get3A_221 = tpu.vector_load %arg7[%get3A_219, %get3A_220] {strides = array<i32>} : memref<200x64xf32, #tpu.memory_space<vmem>>, vector<1x16xf32>,
        %get3A_222 = vector.shape_cast %get3A_221 : vector<1x16xf32> to vector<16xf32>
        %add3A_223 = arith.addf %add3A_199, %get3A_222 : vector<16xf32>
        %get3A_224 = arith.index_cast %add3A_208 : i32 to index
        %get3A_225 = arith.constant 48 : index
        %get3A_226 = tpu.vector_load %arg7[%get3A_224, %get3A_225] {strides = array<i32>} : memref<200x64xf32, #tpu.memory_space<vmem>>, vector<1x16xf32>,
        %get3A_227 = vector.shape_cast %get3A_226 : vector<1x16xf32> to vector<16xf32>
        %add3A_228 = arith.addf %add3A_204, %get3A_227 : vector<16xf32>
        scf.yield %add3A_213, %add3A_218, %add3A_223, %add3A_228 : vector<16xf32>, vector<16xf32>, vector<16xf32>, vector<16xf32>
      }
      %scan3A_107 = arith.constant 50 : i32
      %swap3A_108 = arith.index_cast %add3A_101 : i32 to index
      %swap3A_109 = arith.constant 0 : index
      %swap3A_110 = tpu.vector_load %arg8[%swap3A_108, %swap3A_109] {strides = array<i32>} : memref<128x64xf32, #tpu.memory_space<vmem>>, vector<1x16xf32>,
      %swap3A_111 = vector.shape_cast %swap3A_110 : vector<1x16xf32> to vector<16xf32>
      %swap3A_112 = vector.shape_cast %scan3A_106#0 : vector<16xf32> to vector<1x16xf32>
      tpu.vector_store %arg8[%swap3A_108, %swap3A_109], %swap3A_112 {strides = array<i32>} : memref<128x64xf32, #tpu.memory_space<vmem>>, vector<1x16xf32>,
      %swap3A_113 = arith.index_cast %add3A_101 : i32 to index
      %swap3A_114 = arith.constant 16 : index
      %swap3A_115 = tpu.vector_load %arg8[%swap3A_113, %swap3A_114] {strides = array<i32>} : memref<128x64xf32, #tpu.memory_space<vmem>>, vector<1x16xf32>,
      %swap3A_116 = vector.shape_cast %swap3A_115 : vector<1x16xf32> to vector<16xf32>
      %swap3A_117 = vector.shape_cast %scan3A_106#1 : vector<16xf32> to vector<1x16xf32>
      tpu.vector_store %arg8[%swap3A_113, %swap3A_114], %swap3A_117 {strides = array<i32>} : memref<128x64xf32, #tpu.memory_space<vmem>>, vector<1x16xf32>,
      %swap3A_118 = arith.index_cast %add3A_101 : i32 to index
      %swap3A_119 = arith.constant 32 : index
      %swap3A_120 = tpu.vector_load %arg8[%swap3A_118, %swap3A_119] {strides = array<i32>} : memref<128x64xf32, #tpu.memory_space<vmem>>, vector<1x16xf32>,
      %swap3A_121 = vector.shape_cast %swap3A_120 : vector<1x16xf32> to vector<16xf32>
      %swap3A_122 = vector.shape_cast %scan3A_106#2 : vector<16xf32> to vector<1x16xf32>
      tpu.vector_store %arg8[%swap3A_118, %swap3A_119], %swap3A_122 {strides = array<i32>} : memref<128x64xf32, #tpu.memory_space<vmem>>, vector<1x16xf32>,
      %swap3A_123 = arith.index_cast %add3A_101 : i32 to index
      %swap3A_124 = arith.constant 48 : index
      %swap3A_125 = tpu.vector_load %arg8[%swap3A_123, %swap3A_124] {strides = array<i32>} : memref<128x64xf32, #tpu.memory_space<vmem>>, vector<1x16xf32>,
      %swap3A_126 = vector.shape_cast %swap3A_125 : vector<1x16xf32> to vector<16xf32>
      %swap3A_127 = vector.shape_cast %scan3A_106#3 : vector<16xf32> to vector<1x16xf32>
      tpu.vector_store %arg8[%swap3A_123, %swap3A_124], %swap3A_127 {strides = array<i32>} : memref<128x64xf32, #tpu.memory_space<vmem>>, vector<1x16xf32>,
      %scan3A_128 = arith.constant 0 : i32
      scf.yield %scan3A_128 : i32
    }
    %scan3A_33 = arith.constant 64 : i32
    "tpu.region"() ({
      %run_scoped3A = tpu.sem_alloc : memref<!tpu.dma_semaphore, #tpu.memory_space<semaphore_mem>>
      %dma_start3A_34 = arith.constant 0 : i32
      %dma_start3A_35 = tpu.memref_slice %arg4[%mul3A_2, %dma_start3A_34] : memref<4096x64xf32, #tpu.memory_space<hbm>> -> memref<128x64xf32, #tpu.memory_space<hbm>>
      %dma_start3A_36 = arith.constant 0 : i32
      %dma_start3A_37 = tpu.memref_slice %arg4[%mul3A_2, %dma_start3A_36] : memref<4096x64xf32, #tpu.memory_space<hbm>> -> memref<128x64xf32, #tpu.memory_space<hbm>>
      tpu.enqueue_dma source(%arg8 : memref<128x64xf32, #tpu.memory_space<vmem>>) target(%dma_start3A_37 : memref<128x64xf32, #tpu.memory_space<hbm>>) target_semaphore(%run_scoped3A : memref<!tpu.dma_semaphore, #tpu.memory_space<semaphore_mem>>)
      %dma_wait3A = arith.constant 0 : i32
      %dma_wait3A_38 = tpu.memref_slice %arg4[%mul3A_2, %dma_wait3A] : memref<4096x64xf32, #tpu.memory_space<hbm>> -> memref<128x64xf32, #tpu.memory_space<hbm>>
      %dma_wait3A_39 = arith.constant 0 : i32
      %dma_wait3A_40 = tpu.memref_slice %arg4[%mul3A_2, %dma_wait3A_39] : memref<4096x64xf32, #tpu.memory_space<hbm>> -> memref<128x64xf32, #tpu.memory_space<hbm>>
      tpu.wait_dma2 semaphore(%run_scoped3A : memref<!tpu.dma_semaphore, #tpu.memory_space<semaphore_mem>>) src(%arg8 : memref<128x64xf32, #tpu.memory_space<vmem>>) dst(%dma_wait3A_40 : memref<128x64xf32, #tpu.memory_space<hbm>>)
      tpu.yield
    }) : () -> ()
    return
  }
}

</mosaic_0001>

<sc_bundles>
// kernel: _sc_pool.3.cloned.1.call-start
scs
__scs_entry_jumppad:
0x0: {  	(pc) =	sbr.rel $0x88, $3  }
0x1: {  	(tag) =	ssettag $0x0;
	lr =	simm.s32 $0x1  }
0x2: {  	[smem:$0x3F9F] =	sst lr;
	_ =	strace $0xD0000000  }
0x3: {  	_ = 	snop  }
0x4: {  	_ = 	snop  }
0x5: {  	_ = 	snop  }
0x6: {  	_ = 	snop  }
0x7: {  	_ = 	snop  }
__scs_overlays_trampoline_lowered:
0x8: {  	[smem:$0x3FAE] =	sst s0  }
0x9: {  	[smem:$0x3FAF] =	sst s1  }
0xa: {  	[smem:$0x3FB0] =	sst s2  }
0xb: {  	[smem:$0x3FB1] =	sst s3  }
0xc: {  	[smem:$0x3FB2] =	sst s4  }
0xd: {  	[smem:$0x3FB3] =	sst s5  }
0xe: {  	[smem:$0x3FB4] =	sst s6  }
0xf: {  	[smem:$0x3FB5] =	sst s7  }
0x10: {  	[smem:$0x3FB6] =	sst s8  }
0x11: {  	[smem:$0x3FB7] =	sst s9;
	s0 =	simm.s32 @!p0 $0x0  }
0x12: {  	s1 =	sld [smem:$0x3F9D];
	s0 =	simm.s32 @p0 $0x1  }
0x13: {  	[smem:$0x3FB8] =	sst s0;
	s0 =	simm.s32 @!p1 $0x0  }
0x14: {  	s2 =	sld [smem:$0x3F9C];
	s0 =	simm.s32 @p1 $0x1  }
0x15: {  	[smem:$0x3FB9] =	sst s0;
	s0 =	simm.s32 @!p2 $0x0  }
0x16: {  	s3 =	sld [smem:$0x3FDB];
	s0 =	simm.s32 @p2 $0x1  }
0x17: {  	s4 =	simm.s32 $0x1BF5;
	[smem:$0x3FBB] =	sst s0  }
0x18: {  	s0 =	sld [smem:$0x3F9E];
	_ =	swait.ge [sflag:s4], $0x0  }
0x19: {  	s7 =	sld [smem:$0x3F9F]  }
0x1a: {  	s8 =	sadd.s32 $0xFFFFE003, lr  }
0x1b: {  	s9 =	sadd.s32 $0xFFFFFEF7, lr;
	s5 =	simm.s32 $0xFFFFFFFF;
	p2 =	slt.u32 s8, $0xFFFFF086  }
0x1c: {  	p1 =	slt.u32 s9, $0xF7A;
	s5 =	simm.s32 @!p2 $0x0  }
0x1d: {  	s5 =	simm.s32 @p1 $0x1;
	p0 =	seq.s32 s7, s2  }
0x1e: {  	s7 =	smul.u32 @!p0 $0xF7A, s2;
	p2 =	seq.s32 @!p0 s5, $0x0  }
0x1f: {  	s9 =	smul.u32 $0xF7A, s1;
	s8 =	simm.s32 @!p0 $0x1BF5;
	p2 =	por !p2, p0  }
0x20: {  	[sflag:s8] =	ssyncset.s32 @!p0 $0xFFFFF086;
	s6 =	sadd.s32 @!p0 s3, s7;
	s7 =	simm.s32 @!p0 $0x108  }
0x21: {  	s3 =	sadd.s32 s3, s9;
	s6 =	sadd.s32 @!p0 $0x88, s6;
	s7 =	simm.s32 @p2 $0x1082  }
0x22: {  	[simem:s7], [sflag:s8] =	dma.local @!p0 [hbm:s6], $0xF7A  }
0x23: {  	s9 =	sor.u32 $0xD0000000, s2;
	s6 =	simm.s32 $0x108;
	_ =	swait.ge @!p0 [sflag:s8], $0x0  }
0x24: {  	s3 =	sadd.s32 $0x88, s3;
	s6 =	simm.s32 @!p1 $0x1082;
	[sflag:s4] =	ssyncset.s32 $0xFFFFF086  }
0x25: {  	[simem:s6], [sflag:s4] =	dma.local [hbm:s3], $0xF7A  }
0x26: {  	[smem:$0x3F9F] =	sst s1;
	(tag) =	ssettag s2;
	_ =	strace s9  }
0x27: {  	s1 =	sld [smem:$0x3FAF]  }
0x28: {  	s2 =	sld [smem:$0x3FB0]  }
0x29: {  	s4 =	sld [smem:$0x3FB2]  }
0x2a: {  	p0 =	seq.s32 s5, $0x0;
	s5 =	sld [smem:$0x3FB3]  }
0x2b: {  	s6 =	sld [smem:$0x3FB4]  }
0x2c: {  	s7 =	sld [smem:$0x3FB5]  }
0x2d: {  	s3 =	simm.s32 $0x108;
	s8 =	sld [smem:$0x3FB6]  }
0x2e: {  	s3 =	simm.s32 @!p0 $0x1082;
	s9 =	sld [smem:$0x3FB7]  }
0x2f: {  	lr =	sadd.s32 s0, s3;
	s0 =	sld [smem:$0x3FAE]  }
0x30: {  	s3 =	sld [smem:$0x3FB1]  }
0x31: {  	[smem:$0x3FBA] =	sst s10  }
0x32: {  	s10 =	sld [smem:$0x3FB8];
	_ =	sdelay $0x3  }
0x33: {  	p0 =	seq.s32 s10, $0x1;
	s10 =	sld [smem:$0x3FBA];
	_ =	sdelay $0x3  }
0x34: {  	[smem:$0x3FBA] =	sst s10  }
0x35: {  	s10 =	sld [smem:$0x3FB9];
	_ =	sdelay $0x3  }
0x36: {  	p1 =	seq.s32 s10, $0x1;
	s10 =	sld [smem:$0x3FBA];
	_ =	sdelay $0x3  }
0x37: {  	[smem:$0x3FBA] =	sst s10  }
0x38: {  	s10 =	sld [smem:$0x3FBB]  }
0x39: {  	_ = 	snop;
	(pc) =	sbr.ind lr, $3  }
0x3a: {  	_ = 	snop  }
0x3b: {  	_ = 	snop  }
0x3c: {  	p2 =	seq.s32 s10, $0x1;
	s10 =	sld [smem:$0x3FBA]  }
0x3d: {  	_ =	shalt  }
0x3e: {  	_ =	shalt  }
0x3f: {  	_ =	shalt  }
0x40: {  	_ =	shalt  }
0x41: {  	_ =	shalt  }
0x42: {  	_ =	shalt  }
0x43: {  	_ =	shalt  }
0x44: {  	_ =	shalt  }
0x45: {  	_ =	shalt  }
0x46: {  	_ =	shalt  }
0x47: {  	_ =	shalt  }
0x48: {  	_ =	shalt  }
0x49: {  	_ =	shalt  }
0x4a: {  	_ =	shalt  }
0x4b: {  	_ =	shalt  }
0x4c: {  	_ =	shalt  }
0x4d: {  	_ =	shalt  }
0x4e: {  	_ =	shalt  }
0x4f: {  	_ =	shalt  }
0x50: {  	_ =	shalt  }
0x51: {  	_ =	shalt  }
0x52: {  	_ =	shalt  }
0x53: {  	_ =	shalt  }
0x54: {  	_ =	shalt  }
0x55: {  	_ =	shalt  }
0x56: {  	_ =	shalt  }
0x57: {  	_ =	shalt  }
0x58: {  	_ =	shalt  }
0x59: {  	_ =	shalt  }
0x5a: {  	_ =	shalt  }
0x5b: {  	_ =	shalt  }
0x5c: {  	_ =	shalt  }
0x5d: {  	_ =	shalt  }
0x5e: {  	_ =	shalt  }
0x5f: {  	_ =	shalt  }
0x60: {  	_ =	shalt  }
0x61: {  	_ =	shalt  }
0x62: {  	_ =	shalt  }
0x63: {  	_ =	shalt  }
0x64: {  	_ =	shalt  }
0x65: {  	_ =	shalt  }
0x66: {  	_ =	shalt  }
0x67: {  	_ =	shalt  }
0x68: {  	_ =	shalt  }
0x69: {  	_ =	shalt  }
0x6a: {  	_ =	shalt  }
0x6b: {  	_ =	shalt  }
0x6c: {  	_ =	shalt  }
0x6d: {  	_ =	shalt  }
0x6e: {  	_ =	shalt  }
0x6f: {  	_ =	shalt  }
0x70: {  	_ =	shalt  }
0x71: {  	_ =	shalt  }
0x72: {  	_ =	shalt  }
0x73: {  	_ =	shalt  }
0x74: {  	_ =	shalt  }
0x75: {  	_ =	shalt  }
0x76: {  	_ =	shalt  }
0x77: {  	_ =	shalt  }
0x78: {  	_ =	shalt  }
0x79: {  	_ =	shalt  }
0x7a: {  	_ =	shalt  }
0x7b: {  	_ =	shalt  }
0x7c: {  	_ =	shalt  }
0x7d: {  	_ =	shalt  }
0x7e: {  	_ =	shalt  }
0x7f: {  	_ =	shalt  }
0x80: {  	_ =	shalt  }
0x81: {  	_ =	shalt  }
0x82: {  	_ =	shalt  }
0x83: {  	_ =	shalt  }
0x84: {  	_ =	shalt  }
0x85: {  	_ =	shalt  }
0x86: {  	_ =	shalt  }
0x87: {  	_ =	shalt  }
.Lfunc_end0:
.L_simem_size_0:
called_computation_lowered:
.L_overlay_start_0:
0x88: {  	s2 =	sld [smem:$0x3FD9]  }
0x89: {  	s3 =	sld [smem:$0x3FFE];
	_ =	sdelay $0x1  }
0x8a: {  	s1 =	srdreg.scid  }
0x8b: {  	s0 =	sand.u32 $0x1, s1  }
0x8c: {  	s17 =	sshll.u32 s0, $0xA;
	s2 =	sadd.s32 s3, s2  }
0x8d: {  	s2 =	sadd.s32 s2, s17  }
0x8e: {  	[smem:$0x3FC6] =	sst s2  }
0x8f: {  	_ = 	snop  }
0x90: {  	s2 =	sld [smem:$0x3FC9]  }
0x91: {  	s18 =	sld [smem:$0x3FD0];
	(tm) =	ssettm $0x1  }
0x92: {  	s4 =	sld [smem:$0x3FFB];
	_ =	sdelay $0x3  }
0x93: {  	_ =	strace s4  }
0x94: {  	s4 =	sld [smem:$0x3FFC];
	_ =	sdelay $0x3  }
0x95: {  	_ =	strace s4  }
0x96: {  	s4 =	sld [smem:$0x3FFD];
	_ =	sdelay $0x3  }
0x97: {  	_ =	strace s4  }
0x98: {  	_ =	strace $0x8FFFFFFF  }
0x99: {  	s19 =	sld [smem:$0x3FDB];
	_ =	sdelay $0x1  }
0x9a: {  	s5 =	simm.s32 $_scs_section_size  }
0x9b: {  	s6 =	simm.s32 $_size__tile_overlayer_lowered;
	s7 =	simm.s32 $_tile_overlayer_lowered  }
0x9c: {  	s22 =	simm.s32 $0x1BFF;
	s21 =	sshll.u32 s7, $0x1;
	s4 =	sadd.s32 s5, s19  }
0x9d: {  	s8 =	simm.s32 $0x0;
	s20 =	sshll.u32 s6, $0x1;
	s6 =	sadd.s32 s21, s4  }
0x9e: {  	[timem:s8], [sflag:s22] =	dma.local [hbm:s6], s20  }
0x9f: {  	_ =	swait.ge [sflag:s22], s20  }
0xa0: {  	s5 =	ssub.s32 $0x0, s20;
	[sflag:s22] =	ssyncset.done $0x0  }
0xa1: {  	[sflag:s22] =	ssyncadd.s32 s5;
	_ =	sdelay $0x1  }
0xa2: {  	s23 =	simm.s32 $0x1B8B  }
0xa3: {  	_ =	swait.ge [sflag:s23], $0x1  }
0xa4: {  	[sflag:s23] =	ssyncset.done $0x0  }
0xa5: {  	s25 =	simm.s32 $0x1B8E;
	s24 =	sld [smem:$0x3FFE];
	[sflag:s23] =	ssyncadd.s32 $0xFFFFFFFF  }
0xa6: {  	s26 =	simm.s32 $execute0_lowered;
	[smem:$0x3FD2] =	sst s25  }
0xa7: {  	s6 =	sshll.u32 s26, $0x1;
	_ =	strace $0x80000046;
	[dreg:$0x1] =	wrdreg $0xFFFFFFFF  }
0xa8: {  	s28 =	simm.s32 $_size_execute0_lowered;
	s4 =	sadd.s32 s4, s6;
	[dreg:$0x0] =	wrdreg $0x0  }
0xa9: {  	s6 =	sshll.u32 s28, $0x1;
	[dreg:$0x2] =	wrdreg s4  }
0xaa: {  	[dreg:$0x3] =	wrdreg s6  }
0xab: {  	[dreg:$0x4] =	wrdreg $0xC0  }
0xac: {  	_ =	task [dreg:s8], $0x5FFFF  }
0xad: {  	[dreg:$0x1] =	wrdreg $0xFFFFFFFF  }
0xae: {  	[dreg:$0x0] =	wrdreg $0x60  }
0xaf: {  	[dreg:$0x2] =	wrdreg s2  }
0xb0: {  	[dreg:$0x3] =	wrdreg s24  }
0xb1: {  	[dreg:$0x4] =	wrdreg s18  }
0xb2: {  	[dreg:$0x5] =	wrdreg $0x9  }
0xb3: {  	_ =	task.clear_ibuf [dreg:s8], $0x6FFFF;
	_ =	strace $0x90000046  }
0xb4: {  	s29 =	simm.s32 $0x9;
	_ =	strace $0x80000048  }
0xb5: {  	_ =	swait.ge [sflag:s29], $0x1  }
0xb6: {  	[sflag:s29] =	ssyncadd.s32 $0xFFFFFFFF  }
0xb7: {  	_ =	strace $0x90000048  }
0xb8: {  	_ =	sfence  }
0xb9: {  	s30 =	sld [smem:$0x0];
	_ =	sdelay $0x2  }
0xba: {  	s31 =	sshll.u32 s1, $0xD;
	s1 =	sshrl.u32 s1, $0x2  }
0xbb: {  	s3 =	sand.u32 $0x4000, s31;
	s1 =	sadd.s32 s1, s30  }
0xbc: {  	s0 =	sor.u32 s3, s0;
	s1 =	sshll.u32 s1, $0x11  }
0xbd: {  	s0 =	sor.u32 s1, s0  }
0xbe: {  	s0 =	sadd.s32 $0x8F2B, s0  }
0xbf: {  	[sflag:s0] =	ssyncadd.remote.s32 $0x1  }
0xc0: {  	_ =	sfence.sel $0xFFFF  }
0xc1: {  	[dreg:$0x0] =	wrdreg $0xFFFFFFFF;
	(pc) =	sbr.abs _section_cstart, $3  }
0xc2: {  	[dreg:$0x1] =	wrdreg $0xFFFFFFFF  }
0xc3: {  	_ =	task.clear_ibuf [dreg:s8], $0x2FFFF;
	_ =	strace $0x9FFFFFFF  }
0xc4: {  	(tm) =	ssettm $0x7FFFFFFF  }
0xc5: {  	_ =	shalt  }
tec
execute0_lowered:
.L_overlay_start_1:
0x0: {  	(tag) =	ssettag $0x1  }
0x1: {  	s4 =	rddreg [dreg:$0x0]  }
0x2: {  	s3 =	rddreg [dreg:$0x1]  }
0x3: {  	s5 =	rddreg [dreg:$0x2]  }
0x4: {  	s0 =	rddreg [dreg:$0x3];
	s6 =	srdreg.scid  }
0x5: {  	s1 =	stileid.u32;
	s2 =	simm.s32 $0x0;
	s10 =	simm.s32 $0x58  }
0x6: {  	s11 =	simm.s32 $0x8000;
	s12 =	simm.s32 $0x9600;
	s13 =	simm.s32 $0xB200  }
0x7: {  	s14 =	simm.s32 $0x1;
	s15 =	simm.s32 $0x2;
	s16 =	simm.s32 $0xC800  }
0x8: {  	s17 =	simm.s32 $0x0;
	s6 =	sand.u32 $0x1, s6;
	s7 =	sshll.u32 s1, $0x1  }
0x9: {  	[smem:$0x7FF] =	sst s2;
	s7 =	sor.u32 s6, s7;
	s6 =	ssub.s32 $0x2, s6  }
0xa: {  	s3 =	sadd.s32 $0xF80400, s3;
	_ =	strace $0x80000047;
	s9 =	sshrl.u32 s6, $0x1  }
0xb: {  	s8 =	smul.u32 $0xC80, s7;
	s7 =	sshll.u32 s7, $0xA;
	s6 =	ssub.s32 s6, s9  }
0xc: {  	s5 =	sadd.s32 s5, s7;
	s7 =	simm.s32 $0x3;
	s9 =	simm.s32 $0x6400  }
0xd: {  	s4 =	sadd.s32 s4, s8;
	s6 =	smax.u32 s6, $0x1;
	s8 =	simm.s32 $0x70  }
.LBB2_1:
0xe: {  	[tilespmem:s2], [sflag:$0x3] =	stream.linear.gather [hbm4b:s4+s2], $0x6400, $0x38;
	[tilespmem:$0xE800] =	vst v63  }
0xf: {  	_ =	swait.ge [sflag:s7], $0x6400  }
0x10: {  	[sflag:s7] =	ssyncset.done $0x0  }
0x11: {  	s18 =	simm.s32 $0x0;
	s19 =	simm.s32 $0x40;
	[sflag:s7] =	ssyncadd.s32 $0xFFFF9C00  }
.LBB2_2:
0x12: {  	p0 =	sne.s32 s19, $0x18FC0;
	v0 =	vld [tilespmem:s18+$0x0];
	_ =	sdelay $0x4  }
.Ltmp0:
0x13: {  	v1 =	vshll.u32 v0, $0x1;
	(pc) =	sbr.rel @p0 .LBB2_2-.Ltmp0, $4  }
0x14: {  	v2 =	vshrl.u32 v0, $0xE;
	v0 =	vand.u32 $0xFFFF8000, v0;
	v1 =	vand.u32 $0x7FFE, v1  }
0x15: {  	v0 =	vor.u32 v0, v1;
	v1 =	vand.u32 $0x1, v2  }
0x16: {  	v0 =	vor.u32 v1, v0  }
0x17: {  	[tilespmem:s18+$0x0] =	vst v0;
	s18 =	sshra.s32 s19, $0x2;
	s19 =	sadd.s32 $0x40, s19  }
0x18: {  	v0 =	vld [tilespmem:s18+$0x0];
	_ =	sdelay $0x4  }
0x19: {  	v1 =	vshll.u32 v0, $0x1  }
0x1a: {  	v2 =	vshrl.u32 v0, $0xE;
	v0 =	vand.u32 $0xFFFF8000, v0;
	v1 =	vand.u32 $0x7FFE, v1  }
0x1b: {  	v63 =	vand.u32 $0x1, v2;
	v0 =	vor.u32 v0, v1  }
0x1c: {  	v0 =	vor.u32 v63, v0  }
0x1d: {  	[tilespmem:s18+$0x0] =	vst v0;
	s18 =	simm.s32 $0x0  }
0x1e: {  	[tilespmem:s9], [sflag:$0x1] =	stream.indirect.gather [hbm4b:s3+s8], $0x40, s18, s8, $0xb8;
	[tilespmem:$0xE800] =	vst v63  }
0x1f: {  	_ = 	snop  }
0x20: {  	[tilespmem:s11], [sflag:$0x1] =	stream.indirect.gather [hbm4b:s3+s10], $0x40, s8, s10, $0xb8;
	[tilespmem:$0xE800] =	vst v63  }
.LBB2_4:
0x21: {  	s19 =	sshllo.u32 s18, $0x1  }
0x22: {  	s20 =	smul.u32 $0x320, s19;
	_ =	sdelay $0x1  }
0x23: {  	s20 =	sshra.s32 s20, $0x2  }
0x24: {  	[tilespmem:s12], [sflag:$0x2] =	stream.indirect.gather [hbm4b:s3+s8], $0x40, s20, s8, $0xb8;
	[tilespmem:$0xE800] =	vst v63  }
0x25: {  	s20 =	sadd.s32 $0x70, s20  }
0x26: {  	[tilespmem:s13], [sflag:$0x2] =	stream.indirect.gather [hbm4b:s3+s10], $0x40, s20, s10, $0xb8;
	[tilespmem:$0xE800] =	vst v63  }
0x27: {  	_ =	swait.ge [sflag:s14], $0x3200  }
0x28: {  	[sflag:s14] =	ssyncset.done $0x0  }
0x29: {  	s20 =	simm.s32 $0x0;
	[sflag:s14] =	ssyncadd.s32 $0xFFFFCE00  }
0x2a: {  	v0 =	vld [tilespmem:s20+$0x64C0]  }
0x2b: {  	v1 =	vld [tilespmem:s20+$0x64D0]  }
0x2c: {  	v2 =	vld [tilespmem:s20+$0x6480]  }
0x2d: {  	v3 =	vld [tilespmem:s20+$0x6490]  }
0x2e: {  	v4 =	vld [tilespmem:s20+$0x6440]  }
0x2f: {  	v5 =	vld [tilespmem:s20+$0x6450]  }
0x30: {  	v10 =	vld [tilespmem:s20+$0x6400]  }
0x31: {  	v6 =	vimm.f32 $0.0e+00;
	v12 =	vld [tilespmem:s20+$0x6410]  }
0x32: {  	s21 =	simm.s32 $0x400;
	v9 =	vimm.f32 $0.0e+00;
	v8 =	vimm.f32 $0.0e+00;
	v7 =	vimm.f32 $0.0e+00;
	v11 =	vld [tilespmem:s20+$0x6420]  }
.LBB2_5:
0x33: {  	p0 =	sne.s32 s21, $0xC400;
	v13 =	vld [tilespmem:s20+$0x6430]  }
0x34: {  	v14 =	vld [tilespmem:s20+$0x6460]  }
0x35: {  	v15 =	vld [tilespmem:s20+$0x6470]  }
0x36: {  	v16 =	vld [tilespmem:s20+$0x64A0]  }
0x37: {  	v6 =	vadd.f32 v10, v6;
	v9 =	vadd.f32 v12, v9;
	v10 =	vld [tilespmem:s20+$0x64B0]  }
0x38: {  	v8 =	vadd.f32 v11, v8;
	v7 =	vadd.f32 v13, v7;
	v11 =	vld [tilespmem:s20+$0x64E0]  }
0x39: {  	v4 =	vadd.f32 v4, v6;
	v5 =	vadd.f32 v5, v9;
	v12 =	vld [tilespmem:s20+$0x64F0];
	s20 =	sshra.s32 s21, $0x2  }
0x3a: {  	v6 =	vadd.f32 v14, v8;
	v13 =	vld [tilespmem:s20+$0x64C0];
	v7 =	vadd.f32 v15, v7  }
0x3b: {  	v4 =	vadd.f32 v2, v4;
	v5 =	vadd.f32 v3, v5;
	v14 =	vld [tilespmem:s20+$0x64D0]  }
0x3c: {  	v8 =	vadd.f32 v16, v6;
	v2 =	vld [tilespmem:s20+$0x6480];
	v7 =	vadd.f32 v10, v7  }
0x3d: {  	v6 =	vadd.f32 v0, v4;
	v9 =	vadd.f32 v1, v5;
	v3 =	vld [tilespmem:s20+$0x6490]  }
.Ltmp1:
0x3e: {  	v8 =	vadd.f32 v11, v8;
	v4 =	vld [tilespmem:s20+$0x6440];
	v7 =	vadd.f32 v12, v7;
	(pc) =	sbr.rel @p0 .LBB2_5-.Ltmp1, $4  }
0x3f: {  	v5 =	vld [tilespmem:s20+$0x6450];
	v0 =	vmov v13  }
0x40: {  	v10 =	vld [tilespmem:s20+$0x6400];
	v1 =	vmov v14  }
0x41: {  	v12 =	vld [tilespmem:s20+$0x6410]  }
0x42: {  	s21 =	sadd.s32 $0x400, s21;
	v11 =	vld [tilespmem:s20+$0x6420]  }
0x43: {  	v13 =	vld [tilespmem:s20+$0x6430]  }
0x44: {  	v14 =	vld [tilespmem:s20+$0x6460]  }
0x45: {  	v15 =	vld [tilespmem:s20+$0x6470];
	v6 =	vadd.f32 v10, v6  }
0x46: {  	v10 =	vld [tilespmem:s20+$0x64A0];
	v9 =	vadd.f32 v12, v9  }
0x47: {  	v12 =	vld [tilespmem:s20+$0x64B0];
	v8 =	vadd.f32 v11, v8;
	v4 =	vadd.f32 v4, v6  }
0x48: {  	v6 =	vadd.f32 v13, v7;
	v7 =	vld [tilespmem:s20+$0x64E0];
	v5 =	vadd.f32 v5, v9  }
0x49: {  	v9 =	vld [tilespmem:s20+$0x64F0];
	v8 =	vadd.f32 v14, v8;
	v2 =	vadd.f32 v2, v4  }
0x4a: {  	v4 =	vadd.f32 v15, v6;
	v3 =	vadd.f32 v3, v5  }
0x4b: {  	s31 =	sshll.u32 s18, $0x7;
	v5 =	vadd.f32 v10, v8;
	v0 =	vadd.f32 v0, v2  }
0x4c: {  	p0 =	seq.s32 s18, $0x3F;
	s20 =	sand.u32 $0x3FFFFF80, s31;
	v2 =	vadd.f32 v12, v4;
	v1 =	vadd.f32 v1, v3  }
0x4d: {  	s21 =	smul.u32 @!p0 $0x640, s18;
	v3 =	vadd.f32 v7, v5;
	[tilespmem:s20+$0xC800] =	vst v0  }
0x4e: {  	v0 =	vadd.f32 v9, v2;
	[tilespmem:s20+$0xC810] =	vst v1  }
0x4f: {  	s21 =	sshra.s32 @!p0 s21, $0x2;
	[tilespmem:s20+$0xC820] =	vst v3  }
0x50: {  	s22 =	simm.s32 @!p0 $0x70;
	s23 =	simm.s32 @!p0 $0x6400;
	[tilespmem:s20+$0xC830] =	vst v0;
	s20 =	sadd.s32 @!p0 $0x190, s21  }
0x51: {  	[tilespmem:s23], [sflag:$0x1] =	stream.indirect.gather @!p0 [hbm4b:s3+s22], $0x40, s20, s22, $0xb8;
	[tilespmem:$0xE800] =	vst v63  }
0x52: {  	s20 =	sadd.s32 @!p0 $0x200, s21;
	s21 =	simm.s32 @!p0 $0x58;
	s22 =	simm.s32 @!p0 $0x8000  }
0x53: {  	[tilespmem:s22], [sflag:$0x1] =	stream.indirect.gather @!p0 [hbm4b:s3+s21], $0x40, s20, s21, $0xb8;
	[tilespmem:$0xE800] =	vst v63  }
0x54: {  	_ =	swait.ge [sflag:s15], $0x3200  }
0x55: {  	[sflag:s15] =	ssyncset.done $0x0  }
0x56: {  	s20 =	simm.s32 $0x0;
	[sflag:s15] =	ssyncadd.s32 $0xFFFFCE00  }
0x57: {  	v0 =	vld [tilespmem:s20+$0x96C0]  }
0x58: {  	v1 =	vld [tilespmem:s20+$0x96D0]  }
0x59: {  	v2 =	vld [tilespmem:s20+$0x9680]  }
0x5a: {  	v3 =	vld [tilespmem:s20+$0x9690]  }
0x5b: {  	v4 =	vld [tilespmem:s20+$0x9640]  }
0x5c: {  	v5 =	vld [tilespmem:s20+$0x9650]  }
0x5d: {  	v10 =	vld [tilespmem:s20+$0x9600]  }
0x5e: {  	v6 =	vimm.f32 $0.0e+00;
	v12 =	vld [tilespmem:s20+$0x9610]  }
0x5f: {  	v8 =	vimm.f32 $0.0e+00;
	v7 =	vimm.f32 $0.0e+00;
	v9 =	vimm.f32 $0.0e+00;
	s21 =	simm.s32 $0x400;
	v11 =	vld [tilespmem:s20+$0x9620]  }
.LBB2_7:
0x60: {  	p0 =	sne.s32 s21, $0xC400;
	v13 =	vld [tilespmem:s20+$0x9630]  }
0x61: {  	v14 =	vld [tilespmem:s20+$0x9660]  }
0x62: {  	v15 =	vld [tilespmem:s20+$0x9670]  }
0x63: {  	v16 =	vld [tilespmem:s20+$0x96A0]  }
0x64: {  	v6 =	vadd.f32 v10, v6;
	v9 =	vadd.f32 v12, v9;
	v10 =	vld [tilespmem:s20+$0x96B0]  }
0x65: {  	v8 =	vadd.f32 v11, v8;
	v7 =	vadd.f32 v13, v7;
	v11 =	vld [tilespmem:s20+$0x96E0]  }
0x66: {  	v4 =	vadd.f32 v4, v6;
	v5 =	vadd.f32 v5, v9;
	v12 =	vld [tilespmem:s20+$0x96F0];
	s20 =	sshra.s32 s21, $0x2  }
0x67: {  	v6 =	vadd.f32 v14, v8;
	v13 =	vld [tilespmem:s20+$0x96C0];
	v7 =	vadd.f32 v15, v7  }
0x68: {  	v4 =	vadd.f32 v2, v4;
	v5 =	vadd.f32 v3, v5;
	v14 =	vld [tilespmem:s20+$0x96D0]  }
0x69: {  	v8 =	vadd.f32 v16, v6;
	v2 =	vld [tilespmem:s20+$0x9680];
	v7 =	vadd.f32 v10, v7  }
0x6a: {  	v6 =	vadd.f32 v0, v4;
	v9 =	vadd.f32 v1, v5;
	v3 =	vld [tilespmem:s20+$0x9690]  }
.Ltmp2:
0x6b: {  	v8 =	vadd.f32 v11, v8;
	v4 =	vld [tilespmem:s20+$0x9640];
	v7 =	vadd.f32 v12, v7;
	(pc) =	sbr.rel @p0 .LBB2_7-.Ltmp2, $4  }
0x6c: {  	v5 =	vld [tilespmem:s20+$0x9650];
	v0 =	vmov v13  }
0x6d: {  	v10 =	vld [tilespmem:s20+$0x9600];
	v1 =	vmov v14  }
0x6e: {  	v12 =	vld [tilespmem:s20+$0x9610]  }
0x6f: {  	s21 =	sadd.s32 $0x400, s21;
	v11 =	vld [tilespmem:s20+$0x9620]  }
0x70: {  	v13 =	vld [tilespmem:s20+$0x9630]  }
0x71: {  	v14 =	vld [tilespmem:s20+$0x9660]  }
0x72: {  	v15 =	vld [tilespmem:s20+$0x9670];
	v6 =	vadd.f32 v10, v6  }
0x73: {  	v54 =	vld [tilespmem:s20+$0x96A0];
	v9 =	vadd.f32 v12, v9  }
0x74: {  	v55 =	vld [tilespmem:s20+$0x96B0];
	v8 =	vadd.f32 v11, v8;
	v4 =	vadd.f32 v4, v6  }
0x75: {  	v57 =	vld [tilespmem:s20+$0x96E0];
	v56 =	vadd.f32 v13, v7;
	v5 =	vadd.f32 v5, v9  }
0x76: {  	v58 =	vld [tilespmem:s20+$0x96F0];
	v8 =	vadd.f32 v14, v8;
	v2 =	vadd.f32 v2, v4  }
0x77: {  	s18 =	sadd.s32 $0x1, s18;
	v59 =	vadd.f32 v15, v56;
	v3 =	vadd.f32 v3, v5  }
0x78: {  	s19 =	sshll.u32 s19, $0x6;
	p0 =	sne.s32 s18, $0x40;
	v60 =	vadd.f32 v54, v8;
	v0 =	vadd.f32 v0, v2  }
.Ltmp3:
0x79: {  	s19 =	sand.u32 $0x3FFFFFC0, s19;
	v61 =	vadd.f32 v55, v59;
	v1 =	vadd.f32 v1, v3;
	(pc) =	sbr.rel @p0 .LBB2_4-.Ltmp3, $4  }
0x7a: {  	v62 =	vadd.f32 v57, v60;
	[tilespmem:s19+$0xC800] =	vst v0  }
0x7b: {  	v63 =	vadd.f32 v58, v61;
	[tilespmem:s19+$0xC810] =	vst v1  }
0x7c: {  	[tilespmem:s19+$0xC820] =	vst v62  }
0x7d: {  	[tilespmem:s19+$0xC830] =	vst v63  }
0x7e: {  	s17 =	sadd.s32 $0x1, s17  }
0x7f: {  	p0 =	sne.s32 s17, s6  }
.Ltmp4:
0x80: {  	_ = 	snop;
	(pc) =	sbr.rel @p0 .LBB2_1-.Ltmp4, $4  }
0x81: {  	[hbm4b:s5+s2] =	stream.linear.scatter [tilespmem:s16], [sflag:$0x3], $0x2000, $0x38;
	[tilespmem:$0xE800] =	vst v63  }
0x82: {  	_ =	swait.ge [sflag:s7], $0x2000  }
0x83: {  	[sflag:s7] =	ssyncset.done $0x0  }
0x84: {  	[sflag:s7] =	ssyncadd.s32 $0xFFFFE000  }
0x85: {  	_ =	sfence.sel $0x180000  }
0x86: {  	[bflag:$0x0] =	sbarrier.arrive $0xFFFF  }
0x87: {  	p0 =	sne.s32 s1, $0x0;
	_ =	strace $0x90000047  }
0x88: {  	s0 =	sadd.s32 @!p0 $0x100000, s0;
	[bflag:$0x2] =	sbarrier.arrive $0xFFFF  }
0x89: {  	[sflag:s0] =	ssyncadd.tile.s32 @!p0 $0x1;
	_ =	shalt  }
.Lfunc_end2:
_tile_overlayer_lowered:
.L_overlay_start_2:
0x8a: {  	(tag) =	ssettag $0x2  }
0x8b: {  	s0 =	rddreg [dreg:$0x0];
	s2 =	stileid.u32  }
0x8c: {  	s1 =	rddreg [dreg:$0x1];
	p0 =	sne.s32 s2, $0x0  }
0x8d: {  	s3 =	rddreg [dreg:$0x2];
	[bflag:$0x3] =	sbarrier.arrive $0xFFFF;
	s2 =	simm.s32 @!p0 $0x1C03  }
0x8e: {  	[timem:s3], [sflag:s2] =	dma.local @!p0 [hbm:s0], s1  }
0x8f: {  	s0 =	simm.s32 @!p0 $0x3  }
0x90: {  	_ =	swait.ge @!p0 [sflag:s0], s1  }
0x91: {  	s1 =	ssub.s32 @!p0 $0x0, s1;
	[sflag:s0] =	ssyncset.done @!p0 $0x0  }
0x92: {  	[sflag:s0] =	ssyncadd.s32 @!p0 s1  }
0x93: {  	[bflag:$0x3] =	sbarrier.arrive $0xFFFF  }
0x94: {  	_ =	shalt  }

</sc_bundles>
